<compile_context>
chip_gen: v7x
topology: tpu7x:2x2x1
jax: 0.10.2.dev20260603
libtpu: 0.0.44.dev20260713+nightly
codegen_flags: <defaults>
</compile_context>

<pallas_src>
import functools

import jax
import jax.numpy as jnp
from jax import lax
from jax.experimental import pallas as pl
from jax.experimental.pallas import tpu as pltpu
from jax.experimental.pallas import tpu_sc as plsc

_ROWS = 1000
_EMBED_DIM = 128
_BATCH = 16384

_info = plsc.get_sparse_core_info()
_NC, _NS = _info.num_cores, _info.num_subcores
_NW = _NC * _NS
_B_PER_W = _BATCH // _NW
_CHUNKS = (64, 128, 128, 160, 32)
_NCH = len(_CHUNKS)
_OFFS = tuple(sum(_CHUNKS[:i]) for i in range(_NCH))
_ROWS_PER_TILE = 64

_mesh = plsc.VectorSubcoreMesh(core_axis_name="c", subcore_axis_name="s")


@functools.partial(
    pl.kernel,
    mesh=_mesh,
    out_type=jax.ShapeDtypeStruct((_BATCH, _EMBED_DIM), jnp.float32),
    scratch_types=[
        pltpu.VMEM((_B_PER_W,), jnp.int32),
        pltpu.VMEM((_B_PER_W, _EMBED_DIM), jnp.float32),
        pltpu.VMEM_SHARED((_ROWS, _EMBED_DIM), jnp.float32),
    ]
    + [pltpu.SemaphoreType.DMA] * (_NCH + 2),
)
def _gather_kernel(idx_hbm, table_hbm, out_hbm, idx_v, rows_v, table_sh, *sems):
    gsems, wsem, isem = sems[:_NCH], sems[_NCH], sems[_NCH + 1]
    sid = lax.axis_index("s")
    wid = sid * _NC + lax.axis_index("c")
    base = wid * _B_PER_W
    icp = pltpu.async_copy(idx_hbm.at[pl.ds(base, _B_PER_W)], idx_v, isem)
    r0 = jnp.minimum(sid * _ROWS_PER_TILE, _ROWS - _ROWS_PER_TILE)
    pltpu.sync_copy(table_hbm.at[pl.ds(r0, _ROWS_PER_TILE)],
                    table_sh.at[pl.ds(r0, _ROWS_PER_TILE)])
    icp.wait()
    plsc.subcore_barrier()
    rds = [
        pltpu.async_copy(table_sh.at[idx_v.at[pl.ds(_OFFS[c], _CHUNKS[c])]],
                         rows_v.at[pl.ds(_OFFS[c], _CHUNKS[c])], gsems[c])
        for c in range(_NCH)
    ]
    wrs = []
    for c in range(_NCH):
        rds[c].wait()
        wrs.append(
            pltpu.async_copy(rows_v.at[pl.ds(_OFFS[c], _CHUNKS[c])],
                             out_hbm.at[pl.ds(base + _OFFS[c], _CHUNKS[c])], wsem)
        )
    for w in wrs:
        w.wait()


def kernel(t, embedding_weight):
    return _gather_kernel(t.astype(jnp.int32), embedding_weight)

# --- scband reference (transcript-rebuilt; emitter-appended) ---
"""Pipeline reference for scband-diffusion-embedding-18004502905329 (READ-ONLY COPY).

The authoritative reference and input builder live on the scoring server;
editing this copy changes nothing except your own understanding.
"""

import jax, jax.numpy as jnp
import numpy as np

MAX_STEPS = 1000
EMBED_DIM = 128
BATCH = 16384


def setup_inputs(seed: int = 0) -> dict:
    key = jax.random.key(seed)
    k_idx, k_tab = jax.random.split(key)
    t = jax.random.randint(k_idx, (BATCH,), 0, MAX_STEPS, dtype=jnp.int64 if jax.config.jax_enable_x64 else jnp.int32)
    embedding_weight = jax.random.normal(k_tab, (MAX_STEPS, EMBED_DIM), dtype=jnp.float32)
    return {"t": t, "embedding_weight": embedding_weight}


def reference(t, embedding_weight):
    # Faithful translation of nn.Embedding lookup: out[i] = embedding_weight[t[i]]
    return jnp.take(embedding_weight, t, axis=0)

if __name__ == "__main__":
    import jax
    _d = setup_inputs()
    print(jax.jit(kernel)(*tuple(_d.values())))

</pallas_src>

<mosaic_0001>
#map = affine_map<(d0, d1) -> (0)>
#map1 = affine_map<(d0, d1) -> (0, 0)>
module attributes {stable_mosaic.version = 14 : i64} {
  func.func @_gather_kernel(%arg0: i32, %arg1: i32, %arg2: memref<16384xi32, #tpu.memory_space<hbm>>, %arg3: memref<1000x128xf32, #tpu.memory_space<hbm>>, %arg4: memref<16384x128xf32, #tpu.memory_space<hbm>>, %arg5: memref<512xi32, #tpu.memory_space<vmem>>, %arg6: memref<512x128xf32, #tpu.memory_space<vmem>>, %arg7: memref<1000x128xf32, #tpu.memory_space<vmem_shared>>, %arg8: memref<!tpu.dma_semaphore, #tpu.memory_space<semaphore_mem>>, %arg9: memref<!tpu.dma_semaphore, #tpu.memory_space<semaphore_mem>>, %arg10: memref<!tpu.dma_semaphore, #tpu.memory_space<semaphore_mem>>, %arg11: memref<!tpu.dma_semaphore, #tpu.memory_space<semaphore_mem>>, %arg12: memref<!tpu.dma_semaphore, #tpu.memory_space<semaphore_mem>>, %arg13: memref<!tpu.dma_semaphore, #tpu.memory_space<semaphore_mem>>, %arg14: memref<!tpu.dma_semaphore, #tpu.memory_space<semaphore_mem>>) attributes {dimension_semantics = [#tpu.dimension_semantics<core_parallel>, #tpu.dimension_semantics<subcore_parallel>], iteration_bounds = array<i64: 2, 16>, scalar_prefetch = 0 : i64, scratch_operands = 10 : i64, tpu.core_type = #tpu.core_type<sc_vector_subcore>, window_params = [{transform_indices = #map}, {transform_indices = #map1}, {transform_indices = #map1}]} {
    %mul3A = arith.constant 2 : i32
    %mul3A_0 = arith.muli %arg1, %mul3A : i32
    %add3A = arith.addi %mul3A_0, %arg0 : i32
    %mul3A_1 = arith.constant 512 : i32
    %mul3A_2 = arith.muli %add3A, %mul3A_1 : i32
    %dma_start3A = tpu.memref_slice %arg2[%mul3A_2] : memref<16384xi32, #tpu.memory_space<hbm>> -> memref<512xi32, #tpu.memory_space<hbm>>
    %dma_start3A_3 = tpu.memref_slice %arg2[%mul3A_2] : memref<16384xi32, #tpu.memory_space<hbm>> -> memref<512xi32, #tpu.memory_space<hbm>>
    tpu.enqueue_dma source(%dma_start3A_3 : memref<512xi32, #tpu.memory_space<hbm>>) target(%arg5 : memref<512xi32, #tpu.memory_space<vmem>>) target_semaphore(%arg14 : memref<!tpu.dma_semaphore, #tpu.memory_space<semaphore_mem>>)
    %mul3A_4 = arith.constant 64 : i32
    %mul3A_5 = arith.muli %arg1, %mul3A_4 : i32
    %min3A = arith.constant 936 : i32
    %min3A_6 = arith.minsi %mul3A_5, %min3A : i32
    "tpu.region"() ({
      %run_scoped3A = tpu.sem_alloc : memref<!tpu.dma_semaphore, #tpu.memory_space<semaphore_mem>>
      %dma_start3A_198 = arith.constant 0 : i32
      %dma_start3A_199 = tpu.memref_slice %arg7[%min3A_6, %dma_start3A_198] : memref<1000x128xf32, #tpu.memory_space<vmem_shared>> -> memref<64x128xf32, #tpu.memory_space<vmem_shared>>
      %dma_start3A_200 = arith.constant 0 : i32
      %dma_start3A_201 = tpu.memref_slice %arg3[%min3A_6, %dma_start3A_200] : memref<1000x128xf32, #tpu.memory_space<hbm>> -> memref<64x128xf32, #tpu.memory_space<hbm>>
      tpu.enqueue_dma source(%dma_start3A_201 : memref<64x128xf32, #tpu.memory_space<hbm>>) target(%dma_start3A_199 : memref<64x128xf32, #tpu.memory_space<vmem_shared>>) target_semaphore(%run_scoped3A : memref<!tpu.dma_semaphore, #tpu.memory_space<semaphore_mem>>)
      %dma_wait3A_202 = arith.constant 0 : i32
      %dma_wait3A_203 = tpu.memref_slice %arg7[%min3A_6, %dma_wait3A_202] : memref<1000x128xf32, #tpu.memory_space<vmem_shared>> -> memref<64x128xf32, #tpu.memory_space<vmem_shared>>
      %dma_wait3A_204 = arith.constant 0 : i32
      %dma_wait3A_205 = tpu.memref_slice %arg3[%min3A_6, %dma_wait3A_204] : memref<1000x128xf32, #tpu.memory_space<hbm>> -> memref<64x128xf32, #tpu.memory_space<hbm>>
      tpu.wait_dma2 semaphore(%run_scoped3A : memref<!tpu.dma_semaphore, #tpu.memory_space<semaphore_mem>>) src(%dma_wait3A_205 : memref<64x128xf32, #tpu.memory_space<hbm>>) dst(%dma_wait3A_203 : memref<64x128xf32, #tpu.memory_space<vmem_shared>>)
      tpu.yield
    }) : () -> ()
    %dma_wait3A = tpu.memref_slice %arg2[%mul3A_2] : memref<16384xi32, #tpu.memory_space<hbm>> -> memref<512xi32, #tpu.memory_space<hbm>>
    %dma_wait3A_7 = tpu.memref_slice %arg2[%mul3A_2] : memref<16384xi32, #tpu.memory_space<hbm>> -> memref<512xi32, #tpu.memory_space<hbm>>
    tpu.wait_dma2 semaphore(%arg14 : memref<!tpu.dma_semaphore, #tpu.memory_space<semaphore_mem>>) src(%dma_wait3A_7 : memref<512xi32, #tpu.memory_space<hbm>>) dst(%arg5 : memref<512xi32, #tpu.memory_space<vmem>>)
    %barrier3A = arith.constant 0 : index
    tpu.barrier barrier_id(%barrier3A)
    %dma_start3A_8 = arith.constant 0 : i32
    %dma_start3A_9 = arith.constant 0 : i32
    %dma_start3A_10 = tpu.memref_slice %arg6[%dma_start3A_8, %dma_start3A_9] : memref<512x128xf32, #tpu.memory_space<vmem>> -> memref<64x128xf32, #tpu.memory_space<vmem>>
    %dma_start3A_11 = arith.constant 0 : i32
    %dma_start3A_12 = tpu.memref_slice %arg5[%dma_start3A_11] : memref<512xi32, #tpu.memory_space<vmem>> -> memref<64xi32, #tpu.memory_space<vmem>>
    %dma_start3A_13 = arith.constant 0 : i32
    %dma_start3A_14 = arith.constant 0 : i32
    %dma_start3A_15 = tpu.memref_slice %arg7[%dma_start3A_13, %dma_start3A_14] : memref<1000x128xf32, #tpu.memory_space<vmem_shared>> -> memref<1000x128xf32, #tpu.memory_space<vmem_shared>>
    tpu.enqueue_indirect_dma source(%dma_start3A_15 : memref<1000x128xf32, #tpu.memory_space<vmem_shared>>) target(%dma_start3A_10 : memref<64x128xf32, #tpu.memory_space<vmem>>) offsets(%dma_start3A_12 : memref<64xi32, #tpu.memory_space<vmem>>) semaphore(%arg8 : memref<!tpu.dma_semaphore, #tpu.memory_space<semaphore_mem>>)
    %dma_start3A_16 = arith.constant 64 : i32
    %dma_start3A_17 = arith.constant 0 : i32
    %dma_start3A_18 = tpu.memref_slice %arg6[%dma_start3A_16, %dma_start3A_17] : memref<512x128xf32, #tpu.memory_space<vmem>> -> memref<128x128xf32, #tpu.memory_space<vmem>>
    %dma_start3A_19 = arith.constant 64 : i32
    %dma_start3A_20 = tpu.memref_slice %arg5[%dma_start3A_19] : memref<512xi32, #tpu.memory_space<vmem>> -> memref<128xi32, #tpu.memory_space<vmem>>
    %dma_start3A_21 = arith.constant 0 : i32
    %dma_start3A_22 = arith.constant 0 : i32
    %dma_start3A_23 = tpu.memref_slice %arg7[%dma_start3A_21, %dma_start3A_22] : memref<1000x128xf32, #tpu.memory_space<vmem_shared>> -> memref<1000x128xf32, #tpu.memory_space<vmem_shared>>
    tpu.enqueue_indirect_dma source(%dma_start3A_23 : memref<1000x128xf32, #tpu.memory_space<vmem_shared>>) target(%dma_start3A_18 : memref<128x128xf32, #tpu.memory_space<vmem>>) offsets(%dma_start3A_20 : memref<128xi32, #tpu.memory_space<vmem>>) semaphore(%arg9 : memref<!tpu.dma_semaphore, #tpu.memory_space<semaphore_mem>>)
    %dma_start3A_24 = arith.constant 192 : i32
    %dma_start3A_25 = arith.constant 0 : i32
    %dma_start3A_26 = tpu.memref_slice %arg6[%dma_start3A_24, %dma_start3A_25] : memref<512x128xf32, #tpu.memory_space<vmem>> -> memref<128x128xf32, #tpu.memory_space<vmem>>
    %dma_start3A_27 = arith.constant 192 : i32
    %dma_start3A_28 = tpu.memref_slice %arg5[%dma_start3A_27] : memref<512xi32, #tpu.memory_space<vmem>> -> memref<128xi32, #tpu.memory_space<vmem>>
    %dma_start3A_29 = arith.constant 0 : i32
    %dma_start3A_30 = arith.constant 0 : i32
    %dma_start3A_31 = tpu.memref_slice %arg7[%dma_start3A_29, %dma_start3A_30] : memref<1000x128xf32, #tpu.memory_space<vmem_shared>> -> memref<1000x128xf32, #tpu.memory_space<vmem_shared>>
    tpu.enqueue_indirect_dma source(%dma_start3A_31 : memref<1000x128xf32, #tpu.memory_space<vmem_shared>>) target(%dma_start3A_26 : memref<128x128xf32, #tpu.memory_space<vmem>>) offsets(%dma_start3A_28 : memref<128xi32, #tpu.memory_space<vmem>>) semaphore(%arg10 : memref<!tpu.dma_semaphore, #tpu.memory_space<semaphore_mem>>)
    %dma_start3A_32 = arith.constant 320 : i32
    %dma_start3A_33 = arith.constant 0 : i32
    %dma_start3A_34 = tpu.memref_slice %arg6[%dma_start3A_32, %dma_start3A_33] : memref<512x128xf32, #tpu.memory_space<vmem>> -> memref<160x128xf32, #tpu.memory_space<vmem>>
    %dma_start3A_35 = arith.constant 320 : i32
    %dma_start3A_36 = tpu.memref_slice %arg5[%dma_start3A_35] : memref<512xi32, #tpu.memory_space<vmem>> -> memref<160xi32, #tpu.memory_space<vmem>>
    %dma_start3A_37 = arith.constant 0 : i32
    %dma_start3A_38 = arith.constant 0 : i32
    %dma_start3A_39 = tpu.memref_slice %arg7[%dma_start3A_37, %dma_start3A_38] : memref<1000x128xf32, #tpu.memory_space<vmem_shared>> -> memref<1000x128xf32, #tpu.memory_space<vmem_shared>>
    tpu.enqueue_indirect_dma source(%dma_start3A_39 : memref<1000x128xf32, #tpu.memory_space<vmem_shared>>) target(%dma_start3A_34 : memref<160x128xf32, #tpu.memory_space<vmem>>) offsets(%dma_start3A_36 : memref<160xi32, #tpu.memory_space<vmem>>) semaphore(%arg11 : memref<!tpu.dma_semaphore, #tpu.memory_space<semaphore_mem>>)
    %dma_start3A_40 = arith.constant 480 : i32
    %dma_start3A_41 = arith.constant 0 : i32
    %dma_start3A_42 = tpu.memref_slice %arg6[%dma_start3A_40, %dma_start3A_41] : memref<512x128xf32, #tpu.memory_space<vmem>> -> memref<32x128xf32, #tpu.memory_space<vmem>>
    %dma_start3A_43 = arith.constant 480 : i32
    %dma_start3A_44 = tpu.memref_slice %arg5[%dma_start3A_43] : memref<512xi32, #tpu.memory_space<vmem>> -> memref<32xi32, #tpu.memory_space<vmem>>
    %dma_start3A_45 = arith.constant 0 : i32
    %dma_start3A_46 = arith.constant 0 : i32
    %dma_start3A_47 = tpu.memref_slice %arg7[%dma_start3A_45, %dma_start3A_46] : memref<1000x128xf32, #tpu.memory_space<vmem_shared>> -> memref<1000x128xf32, #tpu.memory_space<vmem_shared>>
    tpu.enqueue_indirect_dma source(%dma_start3A_47 : memref<1000x128xf32, #tpu.memory_space<vmem_shared>>) target(%dma_start3A_42 : memref<32x128xf32, #tpu.memory_space<vmem>>) offsets(%dma_start3A_44 : memref<32xi32, #tpu.memory_space<vmem>>) semaphore(%arg12 : memref<!tpu.dma_semaphore, #tpu.memory_space<semaphore_mem>>)
    %dma_wait3A_48 = arith.constant 0 : i32
    %dma_wait3A_49 = arith.constant 0 : i32
    %dma_wait3A_50 = tpu.memref_slice %arg6[%dma_wait3A_48, %dma_wait3A_49] : memref<512x128xf32, #tpu.memory_space<vmem>> -> memref<64x128xf32, #tpu.memory_space<vmem>>
    %dma_wait3A_51 = arith.constant 0 : i32
    %dma_wait3A_52 = tpu.memref_slice %arg5[%dma_wait3A_51] : memref<512xi32, #tpu.memory_space<vmem>> -> memref<64xi32, #tpu.memory_space<vmem>>
    %dma_wait3A_53 = arith.constant 0 : i32
    %dma_wait3A_54 = arith.constant 0 : i32
    %dma_wait3A_55 = tpu.memref_slice %arg7[%dma_wait3A_53, %dma_wait3A_54] : memref<1000x128xf32, #tpu.memory_space<vmem_shared>> -> memref<1000x128xf32, #tpu.memory_space<vmem_shared>>
    tpu.wait_indirect_dma semaphore(%arg8 : memref<!tpu.dma_semaphore, #tpu.memory_space<semaphore_mem>>) src(%dma_wait3A_55 : memref<1000x128xf32, #tpu.memory_space<vmem_shared>>) dst(%dma_wait3A_50 : memref<64x128xf32, #tpu.memory_space<vmem>>)
    %add3A_56 = arith.constant 0 : i32
    %add3A_57 = arith.addi %mul3A_2, %add3A_56 : i32
    %dma_start3A_58 = arith.constant 0 : i32
    %dma_start3A_59 = arith.constant 0 : i32
    %dma_start3A_60 = tpu.memref_slice %arg6[%dma_start3A_58, %dma_start3A_59] : memref<512x128xf32, #tpu.memory_space<vmem>> -> memref<64x128xf32, #tpu.memory_space<vmem>>
    %dma_start3A_61 = arith.constant 0 : i32
    %dma_start3A_62 = tpu.memref_slice %arg4[%add3A_57, %dma_start3A_61] : memref<16384x128xf32, #tpu.memory_space<hbm>> -> memref<64x128xf32, #tpu.memory_space<hbm>>
    %dma_start3A_63 = arith.constant 0 : i32
    %dma_start3A_64 = tpu.memref_slice %arg4[%add3A_57, %dma_start3A_63] : memref<16384x128xf32, #tpu.memory_space<hbm>> -> memref<64x128xf32, #tpu.memory_space<hbm>>
    %dma_start3A_65 = arith.constant 0 : i32
    %dma_start3A_66 = arith.constant 0 : i32
    %dma_start3A_67 = tpu.memref_slice %arg6[%dma_start3A_65, %dma_start3A_66] : memref<512x128xf32, #tpu.memory_space<vmem>> -> memref<64x128xf32, #tpu.memory_space<vmem>>
    tpu.enqueue_dma source(%dma_start3A_67 : memref<64x128xf32, #tpu.memory_space<vmem>>) target(%dma_start3A_64 : memref<64x128xf32, #tpu.memory_space<hbm>>) target_semaphore(%arg13 : memref<!tpu.dma_semaphore, #tpu.memory_space<semaphore_mem>>)
    %dma_wait3A_68 = arith.constant 64 : i32
    %dma_wait3A_69 = arith.constant 0 : i32
    %dma_wait3A_70 = tpu.memref_slice %arg6[%dma_wait3A_68, %dma_wait3A_69] : memref<512x128xf32, #tpu.memory_space<vmem>> -> memref<128x128xf32, #tpu.memory_space<vmem>>
    %dma_wait3A_71 = arith.constant 64 : i32
    %dma_wait3A_72 = tpu.memref_slice %arg5[%dma_wait3A_71] : memref<512xi32, #tpu.memory_space<vmem>> -> memref<128xi32, #tpu.memory_space<vmem>>
    %dma_wait3A_73 = arith.constant 0 : i32
    %dma_wait3A_74 = arith.constant 0 : i32
    %dma_wait3A_75 = tpu.memref_slice %arg7[%dma_wait3A_73, %dma_wait3A_74] : memref<1000x128xf32, #tpu.memory_space<vmem_shared>> -> memref<1000x128xf32, #tpu.memory_space<vmem_shared>>
    tpu.wait_indirect_dma semaphore(%arg9 : memref<!tpu.dma_semaphore, #tpu.memory_space<semaphore_mem>>) src(%dma_wait3A_75 : memref<1000x128xf32, #tpu.memory_space<vmem_shared>>) dst(%dma_wait3A_70 : memref<128x128xf32, #tpu.memory_space<vmem>>)
    %add3A_76 = arith.constant 64 : i32
    %add3A_77 = arith.addi %mul3A_2, %add3A_76 : i32
    %dma_start3A_78 = arith.constant 64 : i32
    %dma_start3A_79 = arith.constant 0 : i32
    %dma_start3A_80 = tpu.memref_slice %arg6[%dma_start3A_78, %dma_start3A_79] : memref<512x128xf32, #tpu.memory_space<vmem>> -> memref<128x128xf32, #tpu.memory_space<vmem>>
    %dma_start3A_81 = arith.constant 0 : i32
    %dma_start3A_82 = tpu.memref_slice %arg4[%add3A_77, %dma_start3A_81] : memref<16384x128xf32, #tpu.memory_space<hbm>> -> memref<128x128xf32, #tpu.memory_space<hbm>>
    %dma_start3A_83 = arith.constant 0 : i32
    %dma_start3A_84 = tpu.memref_slice %arg4[%add3A_77, %dma_start3A_83] : memref<16384x128xf32, #tpu.memory_space<hbm>> -> memref<128x128xf32, #tpu.memory_space<hbm>>
    %dma_start3A_85 = arith.constant 64 : i32
    %dma_start3A_86 = arith.constant 0 : i32
    %dma_start3A_87 = tpu.memref_slice %arg6[%dma_start3A_85, %dma_start3A_86] : memref<512x128xf32, #tpu.memory_space<vmem>> -> memref<128x128xf32, #tpu.memory_space<vmem>>
    tpu.enqueue_dma source(%dma_start3A_87 : memref<128x128xf32, #tpu.memory_space<vmem>>) target(%dma_start3A_84 : memref<128x128xf32, #tpu.memory_space<hbm>>) target_semaphore(%arg13 : memref<!tpu.dma_semaphore, #tpu.memory_space<semaphore_mem>>)
    %dma_wait3A_88 = arith.constant 192 : i32
    %dma_wait3A_89 = arith.constant 0 : i32
    %dma_wait3A_90 = tpu.memref_slice %arg6[%dma_wait3A_88, %dma_wait3A_89] : memref<512x128xf32, #tpu.memory_space<vmem>> -> memref<128x128xf32, #tpu.memory_space<vmem>>
    %dma_wait3A_91 = arith.constant 192 : i32
    %dma_wait3A_92 = tpu.memref_slice %arg5[%dma_wait3A_91] : memref<512xi32, #tpu.memory_space<vmem>> -> memref<128xi32, #tpu.memory_space<vmem>>
    %dma_wait3A_93 = arith.constant 0 : i32
    %dma_wait3A_94 = arith.constant 0 : i32
    %dma_wait3A_95 = tpu.memref_slice %arg7[%dma_wait3A_93, %dma_wait3A_94] : memref<1000x128xf32, #tpu.memory_space<vmem_shared>> -> memref<1000x128xf32, #tpu.memory_space<vmem_shared>>
    tpu.wait_indirect_dma semaphore(%arg10 : memref<!tpu.dma_semaphore, #tpu.memory_space<semaphore_mem>>) src(%dma_wait3A_95 : memref<1000x128xf32, #tpu.memory_space<vmem_shared>>) dst(%dma_wait3A_90 : memref<128x128xf32, #tpu.memory_space<vmem>>)
    %add3A_96 = arith.constant 192 : i32
    %add3A_97 = arith.addi %mul3A_2, %add3A_96 : i32
    %dma_start3A_98 = arith.constant 192 : i32
    %dma_start3A_99 = arith.constant 0 : i32
    %dma_start3A_100 = tpu.memref_slice %arg6[%dma_start3A_98, %dma_start3A_99] : memref<512x128xf32, #tpu.memory_space<vmem>> -> memref<128x128xf32, #tpu.memory_space<vmem>>
    %dma_start3A_101 = arith.constant 0 : i32
    %dma_start3A_102 = tpu.memref_slice %arg4[%add3A_97, %dma_start3A_101] : memref<16384x128xf32, #tpu.memory_space<hbm>> -> memref<128x128xf32, #tpu.memory_space<hbm>>
    %dma_start3A_103 = arith.constant 0 : i32
    %dma_start3A_104 = tpu.memref_slice %arg4[%add3A_97, %dma_start3A_103] : memref<16384x128xf32, #tpu.memory_space<hbm>> -> memref<128x128xf32, #tpu.memory_space<hbm>>
    %dma_start3A_105 = arith.constant 192 : i32
    %dma_start3A_106 = arith.constant 0 : i32
    %dma_start3A_107 = tpu.memref_slice %arg6[%dma_start3A_105, %dma_start3A_106] : memref<512x128xf32, #tpu.memory_space<vmem>> -> memref<128x128xf32, #tpu.memory_space<vmem>>
    tpu.enqueue_dma source(%dma_start3A_107 : memref<128x128xf32, #tpu.memory_space<vmem>>) target(%dma_start3A_104 : memref<128x128xf32, #tpu.memory_space<hbm>>) target_semaphore(%arg13 : memref<!tpu.dma_semaphore, #tpu.memory_space<semaphore_mem>>)
    %dma_wait3A_108 = arith.constant 320 : i32
    %dma_wait3A_109 = arith.constant 0 : i32
    %dma_wait3A_110 = tpu.memref_slice %arg6[%dma_wait3A_108, %dma_wait3A_109] : memref<512x128xf32, #tpu.memory_space<vmem>> -> memref<160x128xf32, #tpu.memory_space<vmem>>
    %dma_wait3A_111 = arith.constant 320 : i32
    %dma_wait3A_112 = tpu.memref_slice %arg5[%dma_wait3A_111] : memref<512xi32, #tpu.memory_space<vmem>> -> memref<160xi32, #tpu.memory_space<vmem>>
    %dma_wait3A_113 = arith.constant 0 : i32
    %dma_wait3A_114 = arith.constant 0 : i32
    %dma_wait3A_115 = tpu.memref_slice %arg7[%dma_wait3A_113, %dma_wait3A_114] : memref<1000x128xf32, #tpu.memory_space<vmem_shared>> -> memref<1000x128xf32, #tpu.memory_space<vmem_shared>>
    tpu.wait_indirect_dma semaphore(%arg11 : memref<!tpu.dma_semaphore, #tpu.memory_space<semaphore_mem>>) src(%dma_wait3A_115 : memref<1000x128xf32, #tpu.memory_space<vmem_shared>>) dst(%dma_wait3A_110 : memref<160x128xf32, #tpu.memory_space<vmem>>)
    %add3A_116 = arith.constant 320 : i32
    %add3A_117 = arith.addi %mul3A_2, %add3A_116 : i32
    %dma_start3A_118 = arith.constant 320 : i32
    %dma_start3A_119 = arith.constant 0 : i32
    %dma_start3A_120 = tpu.memref_slice %arg6[%dma_start3A_118, %dma_start3A_119] : memref<512x128xf32, #tpu.memory_space<vmem>> -> memref<160x128xf32, #tpu.memory_space<vmem>>
    %dma_start3A_121 = arith.constant 0 : i32
    %dma_start3A_122 = tpu.memref_slice %arg4[%add3A_117, %dma_start3A_121] : memref<16384x128xf32, #tpu.memory_space<hbm>> -> memref<160x128xf32, #tpu.memory_space<hbm>>
    %dma_start3A_123 = arith.constant 0 : i32
    %dma_start3A_124 = tpu.memref_slice %arg4[%add3A_117, %dma_start3A_123] : memref<16384x128xf32, #tpu.memory_space<hbm>> -> memref<160x128xf32, #tpu.memory_space<hbm>>
    %dma_start3A_125 = arith.constant 320 : i32
    %dma_start3A_126 = arith.constant 0 : i32
    %dma_start3A_127 = tpu.memref_slice %arg6[%dma_start3A_125, %dma_start3A_126] : memref<512x128xf32, #tpu.memory_space<vmem>> -> memref<160x128xf32, #tpu.memory_space<vmem>>
    tpu.enqueue_dma source(%dma_start3A_127 : memref<160x128xf32, #tpu.memory_space<vmem>>) target(%dma_start3A_124 : memref<160x128xf32, #tpu.memory_space<hbm>>) target_semaphore(%arg13 : memref<!tpu.dma_semaphore, #tpu.memory_space<semaphore_mem>>)
    %dma_wait3A_128 = arith.constant 480 : i32
    %dma_wait3A_129 = arith.constant 0 : i32
    %dma_wait3A_130 = tpu.memref_slice %arg6[%dma_wait3A_128, %dma_wait3A_129] : memref<512x128xf32, #tpu.memory_space<vmem>> -> memref<32x128xf32, #tpu.memory_space<vmem>>
    %dma_wait3A_131 = arith.constant 480 : i32
    %dma_wait3A_132 = tpu.memref_slice %arg5[%dma_wait3A_131] : memref<512xi32, #tpu.memory_space<vmem>> -> memref<32xi32, #tpu.memory_space<vmem>>
    %dma_wait3A_133 = arith.constant 0 : i32
    %dma_wait3A_134 = arith.constant 0 : i32
    %dma_wait3A_135 = tpu.memref_slice %arg7[%dma_wait3A_133, %dma_wait3A_134] : memref<1000x128xf32, #tpu.memory_space<vmem_shared>> -> memref<1000x128xf32, #tpu.memory_space<vmem_shared>>
    tpu.wait_indirect_dma semaphore(%arg12 : memref<!tpu.dma_semaphore, #tpu.memory_space<semaphore_mem>>) src(%dma_wait3A_135 : memref<1000x128xf32, #tpu.memory_space<vmem_shared>>) dst(%dma_wait3A_130 : memref<32x128xf32, #tpu.memory_space<vmem>>)
    %add3A_136 = arith.constant 480 : i32
    %add3A_137 = arith.addi %mul3A_2, %add3A_136 : i32
    %dma_start3A_138 = arith.constant 480 : i32
    %dma_start3A_139 = arith.constant 0 : i32
    %dma_start3A_140 = tpu.memref_slice %arg6[%dma_start3A_138, %dma_start3A_139] : memref<512x128xf32, #tpu.memory_space<vmem>> -> memref<32x128xf32, #tpu.memory_space<vmem>>
    %dma_start3A_141 = arith.constant 0 : i32
    %dma_start3A_142 = tpu.memref_slice %arg4[%add3A_137, %dma_start3A_141] : memref<16384x128xf32, #tpu.memory_space<hbm>> -> memref<32x128xf32, #tpu.memory_space<hbm>>
    %dma_start3A_143 = arith.constant 0 : i32
    %dma_start3A_144 = tpu.memref_slice %arg4[%add3A_137, %dma_start3A_143] : memref<16384x128xf32, #tpu.memory_space<hbm>> -> memref<32x128xf32, #tpu.memory_space<hbm>>
    %dma_start3A_145 = arith.constant 480 : i32
    %dma_start3A_146 = arith.constant 0 : i32
    %dma_start3A_147 = tpu.memref_slice %arg6[%dma_start3A_145, %dma_start3A_146] : memref<512x128xf32, #tpu.memory_space<vmem>> -> memref<32x128xf32, #tpu.memory_space<vmem>>
    tpu.enqueue_dma source(%dma_start3A_147 : memref<32x128xf32, #tpu.memory_space<vmem>>) target(%dma_start3A_144 : memref<32x128xf32, #tpu.memory_space<hbm>>) target_semaphore(%arg13 : memref<!tpu.dma_semaphore, #tpu.memory_space<semaphore_mem>>)
    %dma_wait3A_148 = arith.constant 0 : i32
    %dma_wait3A_149 = arith.constant 0 : i32
    %dma_wait3A_150 = tpu.memref_slice %arg6[%dma_wait3A_148, %dma_wait3A_149] : memref<512x128xf32, #tpu.memory_space<vmem>> -> memref<64x128xf32, #tpu.memory_space<vmem>>
    %dma_wait3A_151 = arith.constant 0 : i32
    %dma_wait3A_152 = tpu.memref_slice %arg4[%add3A_57, %dma_wait3A_151] : memref<16384x128xf32, #tpu.memory_space<hbm>> -> memref<64x128xf32, #tpu.memory_space<hbm>>
    %dma_wait3A_153 = arith.constant 0 : i32
    %dma_wait3A_154 = tpu.memref_slice %arg4[%add3A_57, %dma_wait3A_153] : memref<16384x128xf32, #tpu.memory_space<hbm>> -> memref<64x128xf32, #tpu.memory_space<hbm>>
    %dma_wait3A_155 = arith.constant 0 : i32
    %dma_wait3A_156 = arith.constant 0 : i32
    %dma_wait3A_157 = tpu.memref_slice %arg6[%dma_wait3A_155, %dma_wait3A_156] : memref<512x128xf32, #tpu.memory_space<vmem>> -> memref<64x128xf32, #tpu.memory_space<vmem>>
    tpu.wait_dma2 semaphore(%arg13 : memref<!tpu.dma_semaphore, #tpu.memory_space<semaphore_mem>>) src(%dma_wait3A_157 : memref<64x128xf32, #tpu.memory_space<vmem>>) dst(%dma_wait3A_154 : memref<64x128xf32, #tpu.memory_space<hbm>>)
    %dma_wait3A_158 = arith.constant 64 : i32
    %dma_wait3A_159 = arith.constant 0 : i32
    %dma_wait3A_160 = tpu.memref_slice %arg6[%dma_wait3A_158, %dma_wait3A_159] : memref<512x128xf32, #tpu.memory_space<vmem>> -> memref<128x128xf32, #tpu.memory_space<vmem>>
    %dma_wait3A_161 = arith.constant 0 : i32
    %dma_wait3A_162 = tpu.memref_slice %arg4[%add3A_77, %dma_wait3A_161] : memref<16384x128xf32, #tpu.memory_space<hbm>> -> memref<128x128xf32, #tpu.memory_space<hbm>>
    %dma_wait3A_163 = arith.constant 0 : i32
    %dma_wait3A_164 = tpu.memref_slice %arg4[%add3A_77, %dma_wait3A_163] : memref<16384x128xf32, #tpu.memory_space<hbm>> -> memref<128x128xf32, #tpu.memory_space<hbm>>
    %dma_wait3A_165 = arith.constant 64 : i32
    %dma_wait3A_166 = arith.constant 0 : i32
    %dma_wait3A_167 = tpu.memref_slice %arg6[%dma_wait3A_165, %dma_wait3A_166] : memref<512x128xf32, #tpu.memory_space<vmem>> -> memref<128x128xf32, #tpu.memory_space<vmem>>
    tpu.wait_dma2 semaphore(%arg13 : memref<!tpu.dma_semaphore, #tpu.memory_space<semaphore_mem>>) src(%dma_wait3A_167 : memref<128x128xf32, #tpu.memory_space<vmem>>) dst(%dma_wait3A_164 : memref<128x128xf32, #tpu.memory_space<hbm>>)
    %dma_wait3A_168 = arith.constant 192 : i32
    %dma_wait3A_169 = arith.constant 0 : i32
    %dma_wait3A_170 = tpu.memref_slice %arg6[%dma_wait3A_168, %dma_wait3A_169] : memref<512x128xf32, #tpu.memory_space<vmem>> -> memref<128x128xf32, #tpu.memory_space<vmem>>
    %dma_wait3A_171 = arith.constant 0 : i32
    %dma_wait3A_172 = tpu.memref_slice %arg4[%add3A_97, %dma_wait3A_171] : memref<16384x128xf32, #tpu.memory_space<hbm>> -> memref<128x128xf32, #tpu.memory_space<hbm>>
    %dma_wait3A_173 = arith.constant 0 : i32
    %dma_wait3A_174 = tpu.memref_slice %arg4[%add3A_97, %dma_wait3A_173] : memref<16384x128xf32, #tpu.memory_space<hbm>> -> memref<128x128xf32, #tpu.memory_space<hbm>>
    %dma_wait3A_175 = arith.constant 192 : i32
    %dma_wait3A_176 = arith.constant 0 : i32
    %dma_wait3A_177 = tpu.memref_slice %arg6[%dma_wait3A_175, %dma_wait3A_176] : memref<512x128xf32, #tpu.memory_space<vmem>> -> memref<128x128xf32, #tpu.memory_space<vmem>>
    tpu.wait_dma2 semaphore(%arg13 : memref<!tpu.dma_semaphore, #tpu.memory_space<semaphore_mem>>) src(%dma_wait3A_177 : memref<128x128xf32, #tpu.memory_space<vmem>>) dst(%dma_wait3A_174 : memref<128x128xf32, #tpu.memory_space<hbm>>)
    %dma_wait3A_178 = arith.constant 320 : i32
    %dma_wait3A_179 = arith.constant 0 : i32
    %dma_wait3A_180 = tpu.memref_slice %arg6[%dma_wait3A_178, %dma_wait3A_179] : memref<512x128xf32, #tpu.memory_space<vmem>> -> memref<160x128xf32, #tpu.memory_space<vmem>>
    %dma_wait3A_181 = arith.constant 0 : i32
    %dma_wait3A_182 = tpu.memref_slice %arg4[%add3A_117, %dma_wait3A_181] : memref<16384x128xf32, #tpu.memory_space<hbm>> -> memref<160x128xf32, #tpu.memory_space<hbm>>
    %dma_wait3A_183 = arith.constant 0 : i32
    %dma_wait3A_184 = tpu.memref_slice %arg4[%add3A_117, %dma_wait3A_183] : memref<16384x128xf32, #tpu.memory_space<hbm>> -> memref<160x128xf32, #tpu.memory_space<hbm>>
    %dma_wait3A_185 = arith.constant 320 : i32
    %dma_wait3A_186 = arith.constant 0 : i32
    %dma_wait3A_187 = tpu.memref_slice %arg6[%dma_wait3A_185, %dma_wait3A_186] : memref<512x128xf32, #tpu.memory_space<vmem>> -> memref<160x128xf32, #tpu.memory_space<vmem>>
    tpu.wait_dma2 semaphore(%arg13 : memref<!tpu.dma_semaphore, #tpu.memory_space<semaphore_mem>>) src(%dma_wait3A_187 : memref<160x128xf32, #tpu.memory_space<vmem>>) dst(%dma_wait3A_184 : memref<160x128xf32, #tpu.memory_space<hbm>>)
    %dma_wait3A_188 = arith.constant 480 : i32
    %dma_wait3A_189 = arith.constant 0 : i32
    %dma_wait3A_190 = tpu.memref_slice %arg6[%dma_wait3A_188, %dma_wait3A_189] : memref<512x128xf32, #tpu.memory_space<vmem>> -> memref<32x128xf32, #tpu.memory_space<vmem>>
    %dma_wait3A_191 = arith.constant 0 : i32
    %dma_wait3A_192 = tpu.memref_slice %arg4[%add3A_137, %dma_wait3A_191] : memref<16384x128xf32, #tpu.memory_space<hbm>> -> memref<32x128xf32, #tpu.memory_space<hbm>>
    %dma_wait3A_193 = arith.constant 0 : i32
    %dma_wait3A_194 = tpu.memref_slice %arg4[%add3A_137, %dma_wait3A_193] : memref<16384x128xf32, #tpu.memory_space<hbm>> -> memref<32x128xf32, #tpu.memory_space<hbm>>
    %dma_wait3A_195 = arith.constant 480 : i32
    %dma_wait3A_196 = arith.constant 0 : i32
    %dma_wait3A_197 = tpu.memref_slice %arg6[%dma_wait3A_195, %dma_wait3A_196] : memref<512x128xf32, #tpu.memory_space<vmem>> -> memref<32x128xf32, #tpu.memory_space<vmem>>
    tpu.wait_dma2 semaphore(%arg13 : memref<!tpu.dma_semaphore, #tpu.memory_space<semaphore_mem>>) src(%dma_wait3A_197 : memref<32x128xf32, #tpu.memory_space<vmem>>) dst(%dma_wait3A_194 : memref<32x128xf32, #tpu.memory_space<hbm>>)
    return
  }
}

</mosaic_0001>

<sc_bundles>
// kernel: kernel.3.cloned.1.call-start
scs
__scs_entry_jumppad:
0x0: {  	(pc) =	sbr.rel $0x88, $3  }
0x1: {  	(tag) =	ssettag $0x0;
	lr =	simm.s32 $0x1  }
0x2: {  	[smem:$0x3F9F] =	sst lr;
	_ =	strace $0xD0000000  }
0x3: {  	_ = 	snop  }
0x4: {  	_ = 	snop  }
0x5: {  	_ = 	snop  }
0x6: {  	_ = 	snop  }
0x7: {  	_ = 	snop  }
__scs_overlays_trampoline_lowered:
0x8: {  	[smem:$0x3FAE] =	sst s0  }
0x9: {  	[smem:$0x3FAF] =	sst s1  }
0xa: {  	[smem:$0x3FB0] =	sst s2  }
0xb: {  	[smem:$0x3FB1] =	sst s3  }
0xc: {  	[smem:$0x3FB2] =	sst s4  }
0xd: {  	[smem:$0x3FB3] =	sst s5  }
0xe: {  	[smem:$0x3FB4] =	sst s6  }
0xf: {  	[smem:$0x3FB5] =	sst s7  }
0x10: {  	[smem:$0x3FB6] =	sst s8  }
0x11: {  	[smem:$0x3FB7] =	sst s9;
	s0 =	simm.s32 @!p0 $0x0  }
0x12: {  	s1 =	sld [smem:$0x3F9D];
	s0 =	simm.s32 @p0 $0x1  }
0x13: {  	[smem:$0x3FB8] =	sst s0;
	s0 =	simm.s32 @!p1 $0x0  }
0x14: {  	s2 =	sld [smem:$0x3F9C];
	s0 =	simm.s32 @p1 $0x1  }
0x15: {  	[smem:$0x3FB9] =	sst s0;
	s0 =	simm.s32 @!p2 $0x0  }
0x16: {  	s3 =	sld [smem:$0x3FDB];
	s0 =	simm.s32 @p2 $0x1  }
0x17: {  	s4 =	simm.s32 $0x1BF5;
	[smem:$0x3FBB] =	sst s0  }
0x18: {  	s0 =	sld [smem:$0x3F9E];
	_ =	swait.ge [sflag:s4], $0x0  }
0x19: {  	s7 =	sld [smem:$0x3F9F]  }
0x1a: {  	s8 =	sadd.s32 $0xFFFFE003, lr  }
0x1b: {  	s9 =	sadd.s32 $0xFFFFFEF7, lr;
	s5 =	simm.s32 $0xFFFFFFFF;
	p2 =	slt.u32 s8, $0xFFFFF086  }
0x1c: {  	p1 =	slt.u32 s9, $0xF7A;
	s5 =	simm.s32 @!p2 $0x0  }
0x1d: {  	s5 =	simm.s32 @p1 $0x1;
	p0 =	seq.s32 s7, s2  }
0x1e: {  	s7 =	smul.u32 @!p0 $0xF7A, s2;
	p2 =	seq.s32 @!p0 s5, $0x0  }
0x1f: {  	s9 =	smul.u32 $0xF7A, s1;
	s8 =	simm.s32 @!p0 $0x1BF5;
	p2 =	por !p2, p0  }
0x20: {  	[sflag:s8] =	ssyncset.s32 @!p0 $0xFFFFF086;
	s6 =	sadd.s32 @!p0 s3, s7;
	s7 =	simm.s32 @!p0 $0x108  }
0x21: {  	s3 =	sadd.s32 s3, s9;
	s6 =	sadd.s32 @!p0 $0x88, s6;
	s7 =	simm.s32 @p2 $0x1082  }
0x22: {  	[simem:s7], [sflag:s8] =	dma.local @!p0 [hbm:s6], $0xF7A  }
0x23: {  	s9 =	sor.u32 $0xD0000000, s2;
	s6 =	simm.s32 $0x108;
	_ =	swait.ge @!p0 [sflag:s8], $0x0  }
0x24: {  	s3 =	sadd.s32 $0x88, s3;
	s6 =	simm.s32 @!p1 $0x1082;
	[sflag:s4] =	ssyncset.s32 $0xFFFFF086  }
0x25: {  	[simem:s6], [sflag:s4] =	dma.local [hbm:s3], $0xF7A  }
0x26: {  	[smem:$0x3F9F] =	sst s1;
	(tag) =	ssettag s2;
	_ =	strace s9  }
0x27: {  	s1 =	sld [smem:$0x3FAF]  }
0x28: {  	s2 =	sld [smem:$0x3FB0]  }
0x29: {  	s4 =	sld [smem:$0x3FB2]  }
0x2a: {  	p0 =	seq.s32 s5, $0x0;
	s5 =	sld [smem:$0x3FB3]  }
0x2b: {  	s6 =	sld [smem:$0x3FB4]  }
0x2c: {  	s7 =	sld [smem:$0x3FB5]  }
0x2d: {  	s3 =	simm.s32 $0x108;
	s8 =	sld [smem:$0x3FB6]  }
0x2e: {  	s3 =	simm.s32 @!p0 $0x1082;
	s9 =	sld [smem:$0x3FB7]  }
0x2f: {  	lr =	sadd.s32 s0, s3;
	s0 =	sld [smem:$0x3FAE]  }
0x30: {  	s3 =	sld [smem:$0x3FB1]  }
0x31: {  	[smem:$0x3FBA] =	sst s10  }
0x32: {  	s10 =	sld [smem:$0x3FB8];
	_ =	sdelay $0x3  }
0x33: {  	p0 =	seq.s32 s10, $0x1;
	s10 =	sld [smem:$0x3FBA];
	_ =	sdelay $0x3  }
0x34: {  	[smem:$0x3FBA] =	sst s10  }
0x35: {  	s10 =	sld [smem:$0x3FB9];
	_ =	sdelay $0x3  }
0x36: {  	p1 =	seq.s32 s10, $0x1;
	s10 =	sld [smem:$0x3FBA];
	_ =	sdelay $0x3  }
0x37: {  	[smem:$0x3FBA] =	sst s10  }
0x38: {  	s10 =	sld [smem:$0x3FBB]  }
0x39: {  	_ = 	snop;
	(pc) =	sbr.ind lr, $3  }
0x3a: {  	_ = 	snop  }
0x3b: {  	_ = 	snop  }
0x3c: {  	p2 =	seq.s32 s10, $0x1;
	s10 =	sld [smem:$0x3FBA]  }
0x3d: {  	_ =	shalt  }
0x3e: {  	_ =	shalt  }
0x3f: {  	_ =	shalt  }
0x40: {  	_ =	shalt  }
0x41: {  	_ =	shalt  }
0x42: {  	_ =	shalt  }
0x43: {  	_ =	shalt  }
0x44: {  	_ =	shalt  }
0x45: {  	_ =	shalt  }
0x46: {  	_ =	shalt  }
0x47: {  	_ =	shalt  }
0x48: {  	_ =	shalt  }
0x49: {  	_ =	shalt  }
0x4a: {  	_ =	shalt  }
0x4b: {  	_ =	shalt  }
0x4c: {  	_ =	shalt  }
0x4d: {  	_ =	shalt  }
0x4e: {  	_ =	shalt  }
0x4f: {  	_ =	shalt  }
0x50: {  	_ =	shalt  }
0x51: {  	_ =	shalt  }
0x52: {  	_ =	shalt  }
0x53: {  	_ =	shalt  }
0x54: {  	_ =	shalt  }
0x55: {  	_ =	shalt  }
0x56: {  	_ =	shalt  }
0x57: {  	_ =	shalt  }
0x58: {  	_ =	shalt  }
0x59: {  	_ =	shalt  }
0x5a: {  	_ =	shalt  }
0x5b: {  	_ =	shalt  }
0x5c: {  	_ =	shalt  }
0x5d: {  	_ =	shalt  }
0x5e: {  	_ =	shalt  }
0x5f: {  	_ =	shalt  }
0x60: {  	_ =	shalt  }
0x61: {  	_ =	shalt  }
0x62: {  	_ =	shalt  }
0x63: {  	_ =	shalt  }
0x64: {  	_ =	shalt  }
0x65: {  	_ =	shalt  }
0x66: {  	_ =	shalt  }
0x67: {  	_ =	shalt  }
0x68: {  	_ =	shalt  }
0x69: {  	_ =	shalt  }
0x6a: {  	_ =	shalt  }
0x6b: {  	_ =	shalt  }
0x6c: {  	_ =	shalt  }
0x6d: {  	_ =	shalt  }
0x6e: {  	_ =	shalt  }
0x6f: {  	_ =	shalt  }
0x70: {  	_ =	shalt  }
0x71: {  	_ =	shalt  }
0x72: {  	_ =	shalt  }
0x73: {  	_ =	shalt  }
0x74: {  	_ =	shalt  }
0x75: {  	_ =	shalt  }
0x76: {  	_ =	shalt  }
0x77: {  	_ =	shalt  }
0x78: {  	_ =	shalt  }
0x79: {  	_ =	shalt  }
0x7a: {  	_ =	shalt  }
0x7b: {  	_ =	shalt  }
0x7c: {  	_ =	shalt  }
0x7d: {  	_ =	shalt  }
0x7e: {  	_ =	shalt  }
0x7f: {  	_ =	shalt  }
0x80: {  	_ =	shalt  }
0x81: {  	_ =	shalt  }
0x82: {  	_ =	shalt  }
0x83: {  	_ =	shalt  }
0x84: {  	_ =	shalt  }
0x85: {  	_ =	shalt  }
0x86: {  	_ =	shalt  }
0x87: {  	_ =	shalt  }
.Lfunc_end0:
.L_simem_size_0:
called_computation_lowered:
.L_overlay_start_0:
0x88: {  	s2 =	sld [smem:$0x3FD9]  }
0x89: {  	s3 =	sld [smem:$0x3FFE];
	_ =	sdelay $0x1  }
0x8a: {  	s1 =	srdreg.scid  }
0x8b: {  	s0 =	sand.u32 $0x1, s1  }
0x8c: {  	s18 =	sshll.u32 s0, $0xA;
	s2 =	sadd.s32 s3, s2  }
0x8d: {  	s2 =	sadd.s32 s2, s18  }
0x8e: {  	[smem:$0x3FC6] =	sst s2  }
0x8f: {  	_ = 	snop  }
0x90: {  	s2 =	sld [smem:$0x3FC9]  }
0x91: {  	s19 =	sld [smem:$0x3FC8]  }
0x92: {  	s4 =	sld [smem:$0x3FD0];
	(tm) =	ssettm $0x1  }
0x93: {  	s5 =	sld [smem:$0x3FFB];
	_ =	sdelay $0x3  }
0x94: {  	_ =	strace s5  }
0x95: {  	s5 =	sld [smem:$0x3FFC];
	_ =	sdelay $0x3  }
0x96: {  	_ =	strace s5  }
0x97: {  	s5 =	sld [smem:$0x3FFD];
	_ =	sdelay $0x3  }
0x98: {  	_ =	strace s5  }
0x99: {  	_ =	strace $0x8FFFFFFF  }
0x9a: {  	s20 =	sld [smem:$0x3FDB];
	_ =	sdelay $0x1  }
0x9b: {  	s6 =	simm.s32 $_scs_section_size  }
0x9c: {  	s7 =	simm.s32 $_size__tile_overlayer_lowered;
	s8 =	simm.s32 $_tile_overlayer_lowered  }
0x9d: {  	s23 =	simm.s32 $0x1BFF;
	s22 =	sshll.u32 s8, $0x1;
	s5 =	sadd.s32 s6, s20  }
0x9e: {  	s9 =	simm.s32 $0x0;
	s21 =	sshll.u32 s7, $0x1;
	s7 =	sadd.s32 s22, s5  }
0x9f: {  	[timem:s9], [sflag:s23] =	dma.local [hbm:s7], s21  }
0xa0: {  	_ =	swait.ge [sflag:s23], s21  }
0xa1: {  	s6 =	ssub.s32 $0x0, s21;
	[sflag:s23] =	ssyncset.done $0x0  }
0xa2: {  	[sflag:s23] =	ssyncadd.s32 s6;
	_ =	sdelay $0x1  }
0xa3: {  	s24 =	simm.s32 $0x1B8B  }
0xa4: {  	_ =	swait.ge [sflag:s24], $0x1  }
0xa5: {  	[sflag:s24] =	ssyncset.done $0x0  }
0xa6: {  	s25 =	simm.s32 $0x1B8E;
	[sflag:s24] =	ssyncadd.s32 $0xFFFFFFFF  }
0xa7: {  	s26 =	simm.s32 $execute0_lowered;
	[smem:$0x3FD2] =	sst s25  }
0xa8: {  	s6 =	sshll.u32 s26, $0x1;
	_ =	strace $0x80000046;
	[dreg:$0x1] =	wrdreg $0xFFFFFFFF  }
0xa9: {  	s28 =	simm.s32 $_size_execute0_lowered;
	s5 =	sadd.s32 s5, s6;
	[dreg:$0x0] =	wrdreg $0x0  }
0xaa: {  	s6 =	sshll.u32 s28, $0x1;
	[dreg:$0x2] =	wrdreg s5  }
0xab: {  	[dreg:$0x3] =	wrdreg s6  }
0xac: {  	[dreg:$0x4] =	wrdreg $0xC0  }
0xad: {  	_ =	task [dreg:s9], $0x5FFFF  }
0xae: {  	[dreg:$0x1] =	wrdreg $0xFFFFFFFF  }
0xaf: {  	[dreg:$0x0] =	wrdreg $0x60  }
0xb0: {  	[dreg:$0x2] =	wrdreg s2  }
0xb1: {  	[dreg:$0x3] =	wrdreg s19  }
0xb2: {  	[dreg:$0x4] =	wrdreg s4  }
0xb3: {  	[dreg:$0x5] =	wrdreg $0x102000  }
0xb4: {  	[dreg:$0x6] =	wrdreg $0x9  }
0xb5: {  	_ =	task.clear_ibuf [dreg:s9], $0x7FFFF;
	_ =	strace $0x90000046  }
0xb6: {  	s29 =	simm.s32 $0x9;
	_ =	strace $0x80000048  }
0xb7: {  	_ =	swait.ge [sflag:s29], $0x1  }
0xb8: {  	[sflag:s29] =	ssyncadd.s32 $0xFFFFFFFF  }
0xb9: {  	_ =	strace $0x90000048  }
0xba: {  	_ =	sfence  }
0xbb: {  	s30 =	sld [smem:$0x0];
	_ =	sdelay $0x2  }
0xbc: {  	s31 =	sshll.u32 s1, $0xD;
	s1 =	sshrl.u32 s1, $0x2  }
0xbd: {  	s3 =	sand.u32 $0x4000, s31;
	s1 =	sadd.s32 s1, s30  }
0xbe: {  	s0 =	sor.u32 s3, s0;
	s1 =	sshll.u32 s1, $0x11  }
0xbf: {  	s0 =	sor.u32 s1, s0  }
0xc0: {  	s0 =	sadd.s32 $0x8F2B, s0  }
0xc1: {  	[sflag:s0] =	ssyncadd.remote.s32 $0x1  }
0xc2: {  	_ =	sfence.sel $0xFFFF  }
0xc3: {  	[dreg:$0x0] =	wrdreg $0xFFFFFFFF;
	(pc) =	sbr.abs _section_cstart, $3  }
0xc4: {  	[dreg:$0x1] =	wrdreg $0xFFFFFFFF  }
0xc5: {  	_ =	task.clear_ibuf [dreg:s9], $0x2FFFF;
	_ =	strace $0x9FFFFFFF  }
0xc6: {  	(tm) =	ssettm $0x7FFFFFFF  }
0xc7: {  	_ =	shalt  }
tec
execute0_lowered:
.L_overlay_start_1:
0x0: {  	(tag) =	ssettag $0x1  }
0x1: {  	s4 =	rddreg [dreg:$0x0]  }
0x2: {  	s5 =	rddreg [dreg:$0x1]  }
0x3: {  	s21 =	rddreg [dreg:$0x2]  }
0x4: {  	s0 =	srdreg.scid;
	s1 =	stileid.u32  }
0x5: {  	s2 =	rddreg [dreg:$0x3];
	s0 =	sand.u32 $0x1, s0;
	s17 =	sshll.u32 s1, $0x6  }
0x6: {  	s6 =	sshll.u32 s1, $0xA;
	s7 =	sshll.u32 s0, $0x9;
	s8 =	smin.u32 s17, $0x3A8  }
0x7: {  	s3 =	simm.s32 $0x0;
	s22 =	sor.u32 s7, s6;
	s18 =	sshll.u32 s8, $0x4  }
0x8: {  	[smem:$0x7FF] =	sst s3;
	s7 =	sshrl.u32 s22, $0x3;
	s19 =	sadd.s32 s5, s18  }
0x9: {  	_ =	strace $0x80000047;
	s4 =	sadd.s32 s4, s7;
	[dreg:$0x6] =	wrdreg s19  }
0xa: {  	s20 =	sshll.u32 s8, $0x7;
	[dreg:$0x5] =	wrdreg s4  }
0xb: {  	s6 =	simm.s32 $0x8;
	s24 =	sadd.s32 s20, s2;
	s25 =	rddreg [dreg:$0x6]  }
0xc: {  	s5 =	sshrl.u32 s24, $0x3;
	s4 =	sor.u32 $0x1C08, s17;
	s23 =	rddreg [dreg:$0x5]  }
0xd: {  	[tilespmem:s3], [sflag:$0x7] =	stream.linear.gather [hbm4b:s23+s3], $0x200, $0x38;
	[tilespmem:$0x12140] =	vst v63  }
0xe: {  	[spmem:s5], [sflag:s4] =	dma.local [hbm:s25], $0x400  }
0xf: {  	_ =	swait.ge [sflag:s6], $0x400  }
0x10: {  	[sflag:s6] =	ssyncset.done $0x0  }
0x11: {  	s7 =	simm.s32 $0x7;
	[sflag:s6] =	ssyncadd.s32 $0xFFFFFC00  }
0x12: {  	_ =	swait.ge [sflag:s7], $0x200  }
0x13: {  	[sflag:s7] =	ssyncset.done $0x0  }
0x14: {  	[sflag:s7] =	ssyncadd.s32 $0xFFFFFE00  }
0x15: {  	s9 =	simm.s32 $0x200;
	s8 =	simm.s32 $0x40;
	[bflag:$0x0] =	sbarrier.arrive $0xFFFF  }
0x16: {  	[tilespmem:s9], [sflag:$0x1] =	stream.indirect.gather [spmem:s2], $0x80, s3, s8, $0xb8;
	[tilespmem:$0x12140] =	vst v63  }
0x17: {  	s10 =	simm.s32 $0x80;
	s11 =	simm.s32 $0x2200  }
0x18: {  	[tilespmem:s11], [sflag:$0x2] =	stream.indirect.gather [spmem:s2], $0x80, s8, s10, $0xb8;
	[tilespmem:$0x12140] =	vst v63  }
0x19: {  	s26 =	simm.s32 $0xC0;
	s13 =	simm.s32 $0x6200;
	s12 =	simm.s32 $0xA0  }
0x1a: {  	[tilespmem:s13], [sflag:$0x3] =	stream.indirect.gather [spmem:s2], $0x80, s26, s10, $0xb8;
	[tilespmem:$0x12140] =	vst v63  }
0x1b: {  	s15 =	simm.s32 $0x140;
	s16 =	simm.s32 $0xA200;
	s18 =	simm.s32 $0x1E0  }
0x1c: {  	[tilespmem:s16], [sflag:$0x4] =	stream.indirect.gather [spmem:s2], $0x80, s15, s12, $0xb8;
	[tilespmem:$0x12140] =	vst v63  }
0x1d: {  	s20 =	simm.s32 $0x1;
	s19 =	simm.s32 $0xF200;
	s17 =	simm.s32 $0x20  }
0x1e: {  	[tilespmem:s19], [sflag:$0x5] =	stream.indirect.gather [spmem:s2], $0x80, s18, s17, $0xb8;
	[tilespmem:$0x12140] =	vst v63  }
0x1f: {  	_ =	swait.ge [sflag:s20], $0x2000  }
0x20: {  	s22 =	sshll.u32 s22, $0x4;
	[sflag:s20] =	ssyncset.done $0x0  }
0x21: {  	s21 =	sadd.s32 s21, s22;
	s22 =	simm.s32 $0x2;
	[sflag:s20] =	ssyncadd.s32 $0xFFFFE000  }
0x22: {  	[hbm4b:s21+s3] =	stream.linear.scatter [tilespmem:s9], [sflag:$0x6], $0x2000, $0x38;
	[tilespmem:$0x12140] =	vst v63  }
0x23: {  	_ =	swait.ge [sflag:s22], $0x4000  }
0x24: {  	[sflag:s22] =	ssyncset.done $0x0  }
0x25: {  	s24 =	simm.s32 $0x3;
	s23 =	sadd.s32 $0x400, s21;
	[sflag:s22] =	ssyncadd.s32 $0xFFFFC000  }
0x26: {  	[hbm4b:s23+s3] =	stream.linear.scatter [tilespmem:s11], [sflag:$0x6], $0x4000, $0x38;
	[tilespmem:$0x12140] =	vst v63  }
0x27: {  	_ =	swait.ge [sflag:s24], $0x4000  }
0x28: {  	[sflag:s24] =	ssyncset.done $0x0  }
0x29: {  	s25 =	sadd.s32 $0xC00, s21;
	s26 =	simm.s32 $0x4;
	[sflag:s24] =	ssyncadd.s32 $0xFFFFC000  }
0x2a: {  	[hbm4b:s25+s3] =	stream.linear.scatter [tilespmem:s13], [sflag:$0x6], $0x4000, $0x38;
	[tilespmem:$0x12140] =	vst v63  }
0x2b: {  	_ =	swait.ge [sflag:s26], $0x5000  }
0x2c: {  	[sflag:s26] =	ssyncset.done $0x0  }
0x2d: {  	s29 =	simm.s32 $0x5;
	s28 =	sadd.s32 $0x1400, s21;
	[sflag:s26] =	ssyncadd.s32 $0xFFFFB000  }
0x2e: {  	[hbm4b:s28+s3] =	stream.linear.scatter [tilespmem:s16], [sflag:$0x6], $0x5000, $0x38;
	[tilespmem:$0x12140] =	vst v63  }
0x2f: {  	_ =	swait.ge [sflag:s29], $0x1000  }
0x30: {  	[sflag:s29] =	ssyncset.done $0x0  }
0x31: {  	s30 =	simm.s32 $0x6;
	s31 =	sadd.s32 $0x1E00, s21;
	[sflag:s29] =	ssyncadd.s32 $0xFFFFF000  }
0x32: {  	[hbm4b:s31+s3] =	stream.linear.scatter [tilespmem:s19], [sflag:$0x6], $0x1000, $0x38;
	[tilespmem:$0x12140] =	vst v63  }
0x33: {  	_ =	swait.ge [sflag:s30], $0x2000  }
0x34: {  	[sflag:s30] =	ssyncset.done $0x0  }
0x35: {  	[sflag:s30] =	ssyncadd.s32 $0xFFFFE000  }
0x36: {  	s0 =	ssub.s32 $0x2, s0;
	_ =	swait.ge [sflag:s30], $0x4000  }
0x37: {  	s12 =	sshrl.u32 s0, $0x1;
	[sflag:s30] =	ssyncset.done $0x0  }
0x38: {  	s0 =	ssub.s32 s0, s12;
	[sflag:s30] =	ssyncadd.s32 $0xFFFFC000  }
0x39: {  	s0 =	smax.u32 s0, $0x1;
	_ =	swait.ge [sflag:s30], $0x4000  }
0x3a: {  	p0 =	sne.s32 s0, $0x1;
	[sflag:s30] =	ssyncset.done $0x0  }
.Ltmp0:
0x3b: {  	[sflag:s30] =	ssyncadd.s32 $0xFFFFC000;
	(pc) =	sbr.rel @!p0 .LBB2_2-.Ltmp0, $4  }
0x3c: {  	_ =	swait.ge [sflag:s30], $0x5000  }
0x3d: {  	[sflag:s30] =	ssyncset.done $0x0  }
0x3e: {  	[sflag:s30] =	ssyncadd.s32 $0xFFFFB000  }
0x3f: {  	s14 =	simm.s32 $0xA0;
	s0 =	sadd.s32 $0xFFFFFFFF, s0;
	_ =	swait.ge [sflag:s30], $0x1000  }
.LBB2_1:
0x40: {  	s1 =	rddreg [dreg:$0x5];
	[sflag:s30] =	ssyncset.done $0x0  }
0x41: {  	s12 =	rddreg [dreg:$0x6];
	[sflag:s30] =	ssyncadd.s32 $0xFFFFF000  }
0x42: {  	[tilespmem:s3], [sflag:$0x7] =	stream.linear.gather [hbm4b:s1+s3], $0x200, $0x38;
	[tilespmem:$0x12140] =	vst v63  }
0x43: {  	[spmem:s5], [sflag:s4] =	dma.local [hbm:s12], $0x400  }
0x44: {  	_ =	swait.ge [sflag:s6], $0x400  }
0x45: {  	[sflag:s6] =	ssyncset.done $0x0  }
0x46: {  	[sflag:s6] =	ssyncadd.s32 $0xFFFFFC00  }
0x47: {  	_ =	swait.ge [sflag:s7], $0x200  }
0x48: {  	[sflag:s7] =	ssyncset.done $0x0  }
0x49: {  	[sflag:s7] =	ssyncadd.s32 $0xFFFFFE00  }
0x4a: {  	[bflag:$0x0] =	sbarrier.arrive $0xFFFF  }
0x4b: {  	[tilespmem:s9], [sflag:$0x1] =	stream.indirect.gather [spmem:s2], $0x80, s3, s8, $0xb8;
	[tilespmem:$0x12140] =	vst v63  }
0x4c: {  	_ = 	snop  }
0x4d: {  	[tilespmem:s11], [sflag:$0x2] =	stream.indirect.gather [spmem:s2], $0x80, s8, s10, $0xb8;
	[tilespmem:$0x12140] =	vst v63  }
0x4e: {  	s12 =	simm.s32 $0xC0  }
0x4f: {  	[tilespmem:s13], [sflag:$0x3] =	stream.indirect.gather [spmem:s2], $0x80, s12, s10, $0xb8;
	[tilespmem:$0x12140] =	vst v63  }
0x50: {  	_ = 	snop  }
0x51: {  	[tilespmem:s16], [sflag:$0x4] =	stream.indirect.gather [spmem:s2], $0x80, s15, s14, $0xb8;
	[tilespmem:$0x12140] =	vst v63  }
0x52: {  	_ = 	snop  }
0x53: {  	[tilespmem:s19], [sflag:$0x5] =	stream.indirect.gather [spmem:s2], $0x80, s18, s17, $0xb8;
	[tilespmem:$0x12140] =	vst v63  }
0x54: {  	_ =	swait.ge [sflag:s20], $0x2000  }
0x55: {  	[sflag:s20] =	ssyncset.done $0x0  }
0x56: {  	[sflag:s20] =	ssyncadd.s32 $0xFFFFE000  }
0x57: {  	[hbm4b:s21+s3] =	stream.linear.scatter [tilespmem:s9], [sflag:$0x6], $0x2000, $0x38;
	[tilespmem:$0x12140] =	vst v63  }
0x58: {  	_ =	swait.ge [sflag:s22], $0x4000  }
0x59: {  	[sflag:s22] =	ssyncset.done $0x0  }
0x5a: {  	[sflag:s22] =	ssyncadd.s32 $0xFFFFC000  }
0x5b: {  	[hbm4b:s23+s3] =	stream.linear.scatter [tilespmem:s11], [sflag:$0x6], $0x4000, $0x38;
	[tilespmem:$0x12140] =	vst v63  }
0x5c: {  	_ =	swait.ge [sflag:s24], $0x4000  }
0x5d: {  	[sflag:s24] =	ssyncset.done $0x0  }
0x5e: {  	[sflag:s24] =	ssyncadd.s32 $0xFFFFC000  }
0x5f: {  	[hbm4b:s25+s3] =	stream.linear.scatter [tilespmem:s13], [sflag:$0x6], $0x4000, $0x38;
	[tilespmem:$0x12140] =	vst v63  }
0x60: {  	_ =	swait.ge [sflag:s26], $0x5000  }
0x61: {  	[sflag:s26] =	ssyncset.done $0x0  }
0x62: {  	[sflag:s26] =	ssyncadd.s32 $0xFFFFB000  }
0x63: {  	[hbm4b:s28+s3] =	stream.linear.scatter [tilespmem:s16], [sflag:$0x6], $0x5000, $0x38;
	[tilespmem:$0x12140] =	vst v63  }
0x64: {  	_ =	swait.ge [sflag:s29], $0x1000  }
0x65: {  	[sflag:s29] =	ssyncset.done $0x0  }
0x66: {  	[sflag:s29] =	ssyncadd.s32 $0xFFFFF000  }
0x67: {  	[hbm4b:s31+s3] =	stream.linear.scatter [tilespmem:s19], [sflag:$0x6], $0x1000, $0x38;
	[tilespmem:$0x12140] =	vst v63  }
0x68: {  	_ =	swait.ge [sflag:s30], $0x2000  }
0x69: {  	[sflag:s30] =	ssyncset.done $0x0  }
0x6a: {  	[sflag:s30] =	ssyncadd.s32 $0xFFFFE000  }
0x6b: {  	_ =	swait.ge [sflag:s30], $0x4000  }
0x6c: {  	[sflag:s30] =	ssyncset.done $0x0  }
0x6d: {  	[sflag:s30] =	ssyncadd.s32 $0xFFFFC000  }
0x6e: {  	_ =	swait.ge [sflag:s30], $0x4000  }
0x6f: {  	p0 =	sne.s32 s0, $0x1;
	[sflag:s30] =	ssyncset.done $0x0  }
.Ltmp1:
0x70: {  	[sflag:s30] =	ssyncadd.s32 $0xFFFFC000;
	(pc) =	sbr.rel @p0 .LBB2_1-.Ltmp1, $4  }
0x71: {  	_ =	swait.ge [sflag:s30], $0x5000  }
0x72: {  	[sflag:s30] =	ssyncset.done $0x0  }
0x73: {  	[sflag:s30] =	ssyncadd.s32 $0xFFFFB000  }
0x74: {  	s0 =	sadd.s32 $0xFFFFFFFF, s0;
	_ =	swait.ge [sflag:s30], $0x1000  }
.LBB2_2:
0x75: {  	[sflag:s30] =	ssyncset.done $0x0  }
0x76: {  	[sflag:s30] =	ssyncadd.s32 $0xFFFFF000  }
0x77: {  	_ =	sfence.sel $0x180000  }
0x78: {  	[bflag:$0x0] =	sbarrier.arrive $0xFFFF  }
0x79: {  	_ =	strace $0x90000047  }
0x7a: {  	s0 =	stileid.u32;
	[bflag:$0x2] =	sbarrier.arrive $0xFFFF  }
0x7b: {  	p0 =	sne.s32 s0, $0x0;
	s0 =	rddreg [dreg:$0x4]  }
0x7c: {  	s0 =	sadd.s32 @!p0 $0x100000, s0  }
0x7d: {  	[sflag:s0] =	ssyncadd.tile.s32 @!p0 $0x1;
	_ =	shalt  }
.Lfunc_end2:
_tile_overlayer_lowered:
.L_overlay_start_2:
0x7e: {  	(tag) =	ssettag $0x2  }
0x7f: {  	s0 =	rddreg [dreg:$0x0];
	s2 =	stileid.u32  }
0x80: {  	s1 =	rddreg [dreg:$0x1];
	p0 =	sne.s32 s2, $0x0  }
0x81: {  	s3 =	rddreg [dreg:$0x2];
	[bflag:$0x3] =	sbarrier.arrive $0xFFFF;
	s2 =	simm.s32 @!p0 $0x1C08  }
0x82: {  	[timem:s3], [sflag:s2] =	dma.local @!p0 [hbm:s0], s1  }
0x83: {  	s0 =	simm.s32 @!p0 $0x8  }
0x84: {  	_ =	swait.ge @!p0 [sflag:s0], s1  }
0x85: {  	s1 =	ssub.s32 @!p0 $0x0, s1;
	[sflag:s0] =	ssyncset.done @!p0 $0x0  }
0x86: {  	[sflag:s0] =	ssyncadd.s32 @!p0 s1  }
0x87: {  	[bflag:$0x3] =	sbarrier.arrive $0xFFFF  }
0x88: {  	_ =	shalt  }

</sc_bundles>
